<compile_context>
chip_gen: v7x
topology: tpu7x:2x2x1
jax: 0.10.2.dev20260603
libtpu: 0.0.44.dev20260713+nightly
codegen_flags: <defaults>
</compile_context>

<pallas_src>
import functools

import jax
import jax.numpy as jnp
from jax import lax
from jax.experimental import pallas as pl
from jax.experimental.pallas import tpu as pltpu
from jax.experimental.pallas import tpu_sc as plsc

VOCAB = 100000
D_MODEL = 64
BATCH = 1024

_NC = 2
_NS = 16
_NW = _NC * _NS
_B_PER_W = BATCH // _NW


def _sc_gather(emb_table, indices):
    mesh = plsc.VectorSubcoreMesh(core_axis_name="c", subcore_axis_name="s")

    @functools.partial(
        pl.kernel,
        mesh=mesh,
        out_type=jax.ShapeDtypeStruct((BATCH, D_MODEL), jnp.float32),
        scratch_types=[
            pltpu.VMEM((_B_PER_W,), jnp.int32),
            pltpu.VMEM((_B_PER_W, D_MODEL), jnp.float32),
            pltpu.SemaphoreType.DMA,
        ],
        compiler_params=pltpu.CompilerParams(use_tc_tiling_on_sc=False),
    )
    def gather_kernel(table_hbm, idx_hbm, out_hbm, idx_v, rows_v, sem):
        wid = lax.axis_index("s") * _NC + lax.axis_index("c")
        base = wid * _B_PER_W
        pltpu.sync_copy(idx_hbm.at[pl.ds(base, _B_PER_W)], idx_v)
        pltpu.async_copy(table_hbm.at[idx_v], rows_v, sem).wait()
        pltpu.sync_copy(rows_v, out_hbm.at[pl.ds(base, _B_PER_W)])

    return gather_kernel(emb_table, indices)


_SUB = 1024
_NSUB = 4
_TV = _SUB * _NSUB
_NSTEP = pl.cdiv(VOCAB, _TV)
_TAIL = VOCAB - (_NSTEP - 1) * _TV - _SUB


def _matmul_body(x_ref, w_ref, out_ref, obuf, tbuf, sems, tsem):
    i = pl.program_id(0)
    last = _NSTEP - 1

    x = x_ref[...]

    for j in range(_NSUB):
        @pl.when(i > 0)
        def _():
            pltpu.make_async_copy(
                obuf.at[j],
                out_ref.at[:, pl.ds((i - 1) * _TV + j * _SUB, _SUB)],
                sems.at[j],
            ).wait()

        obuf[j] = lax.dot_general(
            x,
            w_ref[j * _SUB:(j + 1) * _SUB, :].astype(jnp.bfloat16),
            dimension_numbers=(((1,), (1,)), ((), ())),
            preferred_element_type=jnp.float32,
        )

        @pl.when(jnp.logical_or(i < last, j == 0))
        def _():
            pltpu.make_async_copy(
                obuf.at[j],
                out_ref.at[:, pl.ds(i * _TV + j * _SUB, _SUB)],
                sems.at[j],
            ).start()

    @pl.when(i == last)
    def _():
        tbuf[...] = lax.dot_general(
            x,
            w_ref[_SUB:_SUB + _TAIL, :].astype(jnp.bfloat16),
            dimension_numbers=(((1,), (1,)), ((), ())),
            preferred_element_type=jnp.float32,
        )
        tail_start = last * _TV + _SUB
        pltpu.make_async_copy(
            tbuf, out_ref.at[:, pl.ds(tail_start, _TAIL)], tsem
        ).start()
        pltpu.make_async_copy(
            obuf.at[0],
            out_ref.at[:, pl.ds(last * _TV, _SUB)],
            sems.at[0],
        ).wait()
        pltpu.make_async_copy(
            tbuf, out_ref.at[:, pl.ds(tail_start, _TAIL)], tsem
        ).wait()


def _tc_project(gathered_bf16, lin_weight):
    return pl.pallas_call(
        _matmul_body,
        grid=(_NSTEP,),
        in_specs=[
            pl.BlockSpec((BATCH, D_MODEL), lambda i: (0, 0)),
            pl.BlockSpec((_TV, D_MODEL), lambda i: (i, 0)),
        ],
        out_specs=pl.BlockSpec(memory_space=pl.ANY),
        out_shape=jax.ShapeDtypeStruct((BATCH, VOCAB), jnp.float32),
        scratch_shapes=[
            pltpu.VMEM((_NSUB, BATCH, _SUB), jnp.float32),
            pltpu.VMEM((BATCH, _TAIL), jnp.float32),
            pltpu.SemaphoreType.DMA((_NSUB,)),
            pltpu.SemaphoreType.DMA,
        ],
        compiler_params=pltpu.CompilerParams(
            dimension_semantics=("arbitrary",),
            vmem_limit_bytes=100 * 1024 * 1024,
        ),
    )(gathered_bf16, lin_weight)


@jax.jit
def kernel(indices, emb_table, lin_weight):
    gathered = _sc_gather(emb_table, indices.astype(jnp.int32))
    return _tc_project(gathered.astype(jnp.bfloat16), lin_weight)

# --- scband reference (transcript-rebuilt; emitter-appended) ---
"""Pipeline reference for scband-word2-vec-63127429316893 (READ-ONLY COPY).

The authoritative reference and input builder live on the scoring server;
editing this copy changes nothing except your own understanding.
"""

import jax, jax.numpy as jnp
import numpy as np

VOCAB = 100000
D_MODEL = 64
BATCH = 1024


def setup_inputs(seed: int = 0) -> dict:
    key = jax.random.key(seed)
    k1, k2, k3 = jax.random.split(key, 3)
    indices = jax.random.randint(k1, (BATCH,), 0, VOCAB)
    emb_table = jax.random.normal(k2, (VOCAB, D_MODEL), dtype=jnp.float32)
    lin_weight = jax.random.normal(k3, (VOCAB, D_MODEL), dtype=jnp.float32) * 0.02
    return {"indices": indices, "emb_table": emb_table, "lin_weight": lin_weight}


def reference(indices, emb_table, lin_weight):
    # Word2Vec skipgram step: center_embed = embeddings(indices); logits = Linear(d_model -> vocab, no bias)
    center_embed = jnp.take(emb_table, indices, axis=0)  # [B, d_model]
    logits = center_embed @ lin_weight.T                 # [B, vocab]
    return logits

if __name__ == "__main__":
    import jax
    _d = setup_inputs()
    print(jax.jit(kernel)(*tuple(_d.values())))

</pallas_src>

<mosaic_0001>
#map = affine_map<(d0, d1) -> (0, 0)>
#map1 = affine_map<(d0, d1) -> (0)>
module attributes {stable_mosaic.version = 14 : i64} {
  func.func @gather_kernel(%arg0: i32, %arg1: i32, %arg2: memref<100000x64xf32, #tpu.memory_space<hbm>>, %arg3: memref<1024xi32, #tpu.memory_space<hbm>>, %arg4: memref<1024x64xf32, #tpu.memory_space<hbm>>, %arg5: memref<32xi32, #tpu.memory_space<vmem>>, %arg6: memref<32x64xf32, #tpu.memory_space<vmem>>, %arg7: memref<!tpu.dma_semaphore, #tpu.memory_space<semaphore_mem>>) attributes {dimension_semantics = [#tpu.dimension_semantics<core_parallel>, #tpu.dimension_semantics<subcore_parallel>], iteration_bounds = array<i64: 2, 16>, scalar_prefetch = 0 : i64, scratch_operands = 3 : i64, tpu.core_type = #tpu.core_type<sc_vector_subcore>, window_params = [{transform_indices = #map}, {transform_indices = #map1}, {transform_indices = #map}]} {
    %mul3A = arith.constant 2 : i32
    %mul3A_0 = arith.muli %arg1, %mul3A : i32
    %add3A = arith.addi %mul3A_0, %arg0 : i32
    %mul3A_1 = arith.constant 32 : i32
    %mul3A_2 = arith.muli %add3A, %mul3A_1 : i32
    "tpu.region"() ({
      %run_scoped3A = tpu.sem_alloc : memref<!tpu.dma_semaphore, #tpu.memory_space<semaphore_mem>>
      %dma_start3A_7 = tpu.memref_slice %arg3[%mul3A_2] : memref<1024xi32, #tpu.memory_space<hbm>> -> memref<32xi32, #tpu.memory_space<hbm>>
      %dma_start3A_8 = tpu.memref_slice %arg3[%mul3A_2] : memref<1024xi32, #tpu.memory_space<hbm>> -> memref<32xi32, #tpu.memory_space<hbm>>
      tpu.enqueue_dma source(%dma_start3A_8 : memref<32xi32, #tpu.memory_space<hbm>>) target(%arg5 : memref<32xi32, #tpu.memory_space<vmem>>) target_semaphore(%run_scoped3A : memref<!tpu.dma_semaphore, #tpu.memory_space<semaphore_mem>>)
      %dma_wait3A_9 = tpu.memref_slice %arg3[%mul3A_2] : memref<1024xi32, #tpu.memory_space<hbm>> -> memref<32xi32, #tpu.memory_space<hbm>>
      %dma_wait3A_10 = tpu.memref_slice %arg3[%mul3A_2] : memref<1024xi32, #tpu.memory_space<hbm>> -> memref<32xi32, #tpu.memory_space<hbm>>
      tpu.wait_dma2 semaphore(%run_scoped3A : memref<!tpu.dma_semaphore, #tpu.memory_space<semaphore_mem>>) src(%dma_wait3A_10 : memref<32xi32, #tpu.memory_space<hbm>>) dst(%arg5 : memref<32xi32, #tpu.memory_space<vmem>>)
      tpu.yield
    }) : () -> ()
    %dma_start3A = arith.constant 0 : i32
    %dma_start3A_3 = arith.constant 0 : i32
    %dma_start3A_4 = tpu.memref_slice %arg2[%dma_start3A, %dma_start3A_3] : memref<100000x64xf32, #tpu.memory_space<hbm>> -> memref<100000x64xf32, #tpu.memory_space<hbm>>
    tpu.enqueue_indirect_dma source(%dma_start3A_4 : memref<100000x64xf32, #tpu.memory_space<hbm>>) target(%arg6 : memref<32x64xf32, #tpu.memory_space<vmem>>) offsets(%arg5 : memref<32xi32, #tpu.memory_space<vmem>>) semaphore(%arg7 : memref<!tpu.dma_semaphore, #tpu.memory_space<semaphore_mem>>)
    %dma_wait3A = arith.constant 0 : i32
    %dma_wait3A_5 = arith.constant 0 : i32
    %dma_wait3A_6 = tpu.memref_slice %arg2[%dma_wait3A, %dma_wait3A_5] : memref<100000x64xf32, #tpu.memory_space<hbm>> -> memref<100000x64xf32, #tpu.memory_space<hbm>>
    tpu.wait_indirect_dma semaphore(%arg7 : memref<!tpu.dma_semaphore, #tpu.memory_space<semaphore_mem>>) src(%dma_wait3A_6 : memref<100000x64xf32, #tpu.memory_space<hbm>>) dst(%arg6 : memref<32x64xf32, #tpu.memory_space<vmem>>)
    "tpu.region"() ({
      %run_scoped3A = tpu.sem_alloc : memref<!tpu.dma_semaphore, #tpu.memory_space<semaphore_mem>>
      %dma_start3A_7 = arith.constant 0 : i32
      %dma_start3A_8 = tpu.memref_slice %arg4[%mul3A_2, %dma_start3A_7] : memref<1024x64xf32, #tpu.memory_space<hbm>> -> memref<32x64xf32, #tpu.memory_space<hbm>>
      %dma_start3A_9 = arith.constant 0 : i32
      %dma_start3A_10 = tpu.memref_slice %arg4[%mul3A_2, %dma_start3A_9] : memref<1024x64xf32, #tpu.memory_space<hbm>> -> memref<32x64xf32, #tpu.memory_space<hbm>>
      tpu.enqueue_dma source(%arg6 : memref<32x64xf32, #tpu.memory_space<vmem>>) target(%dma_start3A_10 : memref<32x64xf32, #tpu.memory_space<hbm>>) target_semaphore(%run_scoped3A : memref<!tpu.dma_semaphore, #tpu.memory_space<semaphore_mem>>)
      %dma_wait3A_11 = arith.constant 0 : i32
      %dma_wait3A_12 = tpu.memref_slice %arg4[%mul3A_2, %dma_wait3A_11] : memref<1024x64xf32, #tpu.memory_space<hbm>> -> memref<32x64xf32, #tpu.memory_space<hbm>>
      %dma_wait3A_13 = arith.constant 0 : i32
      %dma_wait3A_14 = tpu.memref_slice %arg4[%mul3A_2, %dma_wait3A_13] : memref<1024x64xf32, #tpu.memory_space<hbm>> -> memref<32x64xf32, #tpu.memory_space<hbm>>
      tpu.wait_dma2 semaphore(%run_scoped3A : memref<!tpu.dma_semaphore, #tpu.memory_space<semaphore_mem>>) src(%arg6 : memref<32x64xf32, #tpu.memory_space<vmem>>) dst(%dma_wait3A_14 : memref<32x64xf32, #tpu.memory_space<hbm>>)
      tpu.yield
    }) : () -> ()
    return
  }
}

module attributes {stable_mosaic.version = 14 : i64} {
  func.func @_matmul_body(%arg0: i32, %arg1: memref<1024x64xbf16, #tpu.memory_space<vmem>>, %arg2: memref<4096x64xf32, #tpu.memory_space<vmem>>, %arg3: memref<1024x100000xf32, #tpu.memory_space<any>>, %arg4: memref<4x1024x1024xf32, #tpu.memory_space<vmem>>, %arg5: memref<1024x672xf32, #tpu.memory_space<vmem>>, %arg6: memref<4x!tpu.dma_semaphore, #tpu.memory_space<semaphore_mem>>, %arg7: memref<!tpu.dma_semaphore, #tpu.memory_space<semaphore_mem>>) attributes {dimension_semantics = [#tpu.dimension_semantics<arbitrary>], iteration_bounds = array<i64: 25>, scalar_prefetch = 0 : i64, scratch_operands = 4 : i64, tpu.core_type = #tpu.core_type<tc>, window_params = [{pipeline_mode = #tpu.pipeline_mode<synchronous>, transform_indices = @transform_0, window_bounds = array<i64: 1024, 64>}, {transform_indices = @transform_1, window_bounds = array<i64: 4096, 64>}, {}]} {
    %get3A = arith.constant 0 : index
    %get3A_0 = arith.constant 0 : index
    %get3A_1 = vector.load %arg1[%get3A, %get3A_0] : memref<1024x64xbf16, #tpu.memory_space<vmem>>, vector<1024x64xbf16>
    %gt3A = arith.constant 0 : i32
    %gt3A_2 = arith.cmpi sgt, %arg0, %gt3A : i32
    %convert_element_type3A = arith.extui %gt3A_2 : i1 to i32
    %cond3A = arith.constant 0 : i32
    %cond3A_3 = arith.cmpi ne, %convert_element_type3A, %cond3A : i32
    scf.if %cond3A_3 {
      %sub3A = arith.constant 1 : i32
      %sub3A_95 = arith.subi %arg0, %sub3A : i32
      %mul3A = arith.constant 4096 : i32
      %mul3A_96 = arith.muli %sub3A_95, %mul3A : i32
      %add3A = arith.constant 0 : i32
      %add3A_97 = arith.addi %mul3A_96, %add3A : i32
      %dma_wait3A = arith.constant 0 : i32
      %dma_wait3A_98 = arith.constant 0 : i32
      %dma_wait3A_99 = tpu.memref_slice %arg6[%dma_wait3A_98] : memref<4x!tpu.dma_semaphore, #tpu.memory_space<semaphore_mem>> -> memref<1x!tpu.dma_semaphore, #tpu.memory_space<semaphore_mem>>
      %dma_wait3A_100 = tpu.memref_squeeze %dma_wait3A_99 : memref<1x!tpu.dma_semaphore, #tpu.memory_space<semaphore_mem>> -> memref<!tpu.dma_semaphore, #tpu.memory_space<semaphore_mem>>
      %dma_wait3A_101 = arith.constant 0 : i32
      %dma_wait3A_102 = tpu.memref_slice %arg3[%dma_wait3A_101, %add3A_97] : memref<1024x100000xf32, #tpu.memory_space<any>> -> memref<1024x1024xf32, #tpu.memory_space<any>>
      %dma_wait3A_103 = arith.constant 0 : i32
      %dma_wait3A_104 = arith.constant 0 : i32
      %dma_wait3A_105 = tpu.memref_slice %arg4[%dma_wait3A, %dma_wait3A_103, %dma_wait3A_104] : memref<4x1024x1024xf32, #tpu.memory_space<vmem>> -> memref<1x1024x1024xf32, #tpu.memory_space<vmem>>
      %dma_wait3A_106 = tpu.memref_squeeze %dma_wait3A_105 : memref<1x1024x1024xf32, #tpu.memory_space<vmem>> -> memref<1024x1024xf32, #tpu.memory_space<vmem>>
      tpu.wait_dma2 semaphore(%dma_wait3A_100 : memref<!tpu.dma_semaphore, #tpu.memory_space<semaphore_mem>>) src(%dma_wait3A_106 : memref<1024x1024xf32, #tpu.memory_space<vmem>>) dst(%dma_wait3A_102 : memref<1024x1024xf32, #tpu.memory_space<any>>)
    } else {
    }
    %get3A_4 = arith.constant 0 : index
    %get3A_5 = arith.constant 0 : index
    %get3A_6 = vector.load %arg2[%get3A_4, %get3A_5] : memref<4096x64xf32, #tpu.memory_space<vmem>>, vector<1024x64xf32>
    %convert_element_type3A_7 = arith.truncf %get3A_6 : vector<1024x64xf32> to vector<1024x64xbf16>
    %dot_general3A = arith.constant dense<0.000000e+00> : vector<1024x1024xf32>
    %dot_general3A_8 = tpu.matmul %get3A_1, %convert_element_type3A_7, %dot_general3A {dimension_numbers = #tpu.dot_dimension_numbers<[1], [1], [0], [0], [0, 0, 1, 0], [], []>, transpose_lhs_hint = false} : vector<1024x64xbf16>, vector<1024x64xbf16>, vector<1024x1024xf32> -> vector<1024x1024xf32>
    %swap3A = arith.constant 0 : index
    %swap3A_9 = arith.constant 0 : index
    %swap3A_10 = arith.constant 0 : index
    %swap3A_11 = vector.load %arg4[%swap3A, %swap3A_9, %swap3A_10] : memref<4x1024x1024xf32, #tpu.memory_space<vmem>>, vector<1x1024x1024xf32>
    %swap3A_12 = vector.shape_cast %swap3A_11 : vector<1x1024x1024xf32> to vector<1024x1024xf32>
    %swap3A_13 = vector.shape_cast %dot_general3A_8 : vector<1024x1024xf32> to vector<1x1024x1024xf32>
    tpu.vector_store %arg4[%swap3A, %swap3A_9, %swap3A_10], %swap3A_13 {strides = array<i32>} : memref<4x1024x1024xf32, #tpu.memory_space<vmem>>, vector<1x1024x1024xf32>,
    %lt3A = arith.constant 24 : i32
    %lt3A_14 = arith.cmpi slt, %arg0, %lt3A : i32
    %or3A = arith.constant true
    %or3A_15 = arith.ori %lt3A_14, %or3A : i1
    %convert_element_type3A_16 = arith.extui %or3A_15 : i1 to i32
    %cond3A_17 = arith.constant 0 : i32
    %cond3A_18 = arith.cmpi ne, %convert_element_type3A_16, %cond3A_17 : i32
    scf.if %cond3A_18 {
      %mul3A = arith.constant 4096 : i32
      %mul3A_95 = arith.muli %arg0, %mul3A : i32
      %add3A = arith.constant 0 : i32
      %add3A_96 = arith.addi %mul3A_95, %add3A : i32
      %dma_start3A = arith.constant 0 : i32
      %dma_start3A_97 = arith.constant 0 : i32
      %dma_start3A_98 = tpu.memref_slice %arg6[%dma_start3A_97] : memref<4x!tpu.dma_semaphore, #tpu.memory_space<semaphore_mem>> -> memref<1x!tpu.dma_semaphore, #tpu.memory_space<semaphore_mem>>
      %dma_start3A_99 = tpu.memref_squeeze %dma_start3A_98 : memref<1x!tpu.dma_semaphore, #tpu.memory_space<semaphore_mem>> -> memref<!tpu.dma_semaphore, #tpu.memory_space<semaphore_mem>>
      %dma_start3A_100 = arith.constant 0 : i32
      %dma_start3A_101 = tpu.memref_slice %arg3[%dma_start3A_100, %add3A_96] : memref<1024x100000xf32, #tpu.memory_space<any>> -> memref<1024x1024xf32, #tpu.memory_space<any>>
      %dma_start3A_102 = arith.constant 0 : i32
      %dma_start3A_103 = arith.constant 0 : i32
      %dma_start3A_104 = tpu.memref_slice %arg4[%dma_start3A, %dma_start3A_102, %dma_start3A_103] : memref<4x1024x1024xf32, #tpu.memory_space<vmem>> -> memref<1x1024x1024xf32, #tpu.memory_space<vmem>>
      %dma_start3A_105 = tpu.memref_squeeze %dma_start3A_104 : memref<1x1024x1024xf32, #tpu.memory_space<vmem>> -> memref<1024x1024xf32, #tpu.memory_space<vmem>>
      tpu.enqueue_dma source(%dma_start3A_105 : memref<1024x1024xf32, #tpu.memory_space<vmem>>) target(%dma_start3A_101 : memref<1024x1024xf32, #tpu.memory_space<any>>) target_semaphore(%dma_start3A_99 : memref<!tpu.dma_semaphore, #tpu.memory_space<semaphore_mem>>)
    } else {
    }
    %gt3A_19 = arith.constant 0 : i32
    %gt3A_20 = arith.cmpi sgt, %arg0, %gt3A_19 : i32
    %convert_element_type3A_21 = arith.extui %gt3A_20 : i1 to i32
    %cond3A_22 = arith.constant 0 : i32
    %cond3A_23 = arith.cmpi ne, %convert_element_type3A_21, %cond3A_22 : i32
    scf.if %cond3A_23 {
      %sub3A = arith.constant 1 : i32
      %sub3A_95 = arith.subi %arg0, %sub3A : i32
      %mul3A = arith.constant 4096 : i32
      %mul3A_96 = arith.muli %sub3A_95, %mul3A : i32
      %add3A = arith.constant 1024 : i32
      %add3A_97 = arith.addi %mul3A_96, %add3A : i32
      %dma_wait3A = arith.constant 1 : i32
      %dma_wait3A_98 = arith.constant 1 : i32
      %dma_wait3A_99 = tpu.memref_slice %arg6[%dma_wait3A_98] : memref<4x!tpu.dma_semaphore, #tpu.memory_space<semaphore_mem>> -> memref<1x!tpu.dma_semaphore, #tpu.memory_space<semaphore_mem>>
      %dma_wait3A_100 = tpu.memref_squeeze %dma_wait3A_99 : memref<1x!tpu.dma_semaphore, #tpu.memory_space<semaphore_mem>> -> memref<!tpu.dma_semaphore, #tpu.memory_space<semaphore_mem>>
      %dma_wait3A_101 = arith.constant 0 : i32
      %dma_wait3A_102 = tpu.memref_slice %arg3[%dma_wait3A_101, %add3A_97] : memref<1024x100000xf32, #tpu.memory_space<any>> -> memref<1024x1024xf32, #tpu.memory_space<any>>
      %dma_wait3A_103 = arith.constant 0 : i32
      %dma_wait3A_104 = arith.constant 0 : i32
      %dma_wait3A_105 = tpu.memref_slice %arg4[%dma_wait3A, %dma_wait3A_103, %dma_wait3A_104] : memref<4x1024x1024xf32, #tpu.memory_space<vmem>> -> memref<1x1024x1024xf32, #tpu.memory_space<vmem>>
      %dma_wait3A_106 = tpu.memref_squeeze %dma_wait3A_105 : memref<1x1024x1024xf32, #tpu.memory_space<vmem>> -> memref<1024x1024xf32, #tpu.memory_space<vmem>>
      tpu.wait_dma2 semaphore(%dma_wait3A_100 : memref<!tpu.dma_semaphore, #tpu.memory_space<semaphore_mem>>) src(%dma_wait3A_106 : memref<1024x1024xf32, #tpu.memory_space<vmem>>) dst(%dma_wait3A_102 : memref<1024x1024xf32, #tpu.memory_space<any>>)
    } else {
    }
    %get3A_24 = arith.constant 1024 : index
    %get3A_25 = arith.constant 0 : index
    %get3A_26 = vector.load %arg2[%get3A_24, %get3A_25] : memref<4096x64xf32, #tpu.memory_space<vmem>>, vector<1024x64xf32>
    %convert_element_type3A_27 = arith.truncf %get3A_26 : vector<1024x64xf32> to vector<1024x64xbf16>
    %dot_general3A_28 = arith.constant dense<0.000000e+00> : vector<1024x1024xf32>
    %dot_general3A_29 = tpu.matmul %get3A_1, %convert_element_type3A_27, %dot_general3A_28 {dimension_numbers = #tpu.dot_dimension_numbers<[1], [1], [0], [0], [0, 0, 1, 0], [], []>, transpose_lhs_hint = false} : vector<1024x64xbf16>, vector<1024x64xbf16>, vector<1024x1024xf32> -> vector<1024x1024xf32>
    %swap3A_30 = arith.constant 1 : index
    %swap3A_31 = arith.constant 0 : index
    %swap3A_32 = arith.constant 0 : index
    %swap3A_33 = vector.load %arg4[%swap3A_30, %swap3A_31, %swap3A_32] : memref<4x1024x1024xf32, #tpu.memory_space<vmem>>, vector<1x1024x1024xf32>
    %swap3A_34 = vector.shape_cast %swap3A_33 : vector<1x1024x1024xf32> to vector<1024x1024xf32>
    %swap3A_35 = vector.shape_cast %dot_general3A_29 : vector<1024x1024xf32> to vector<1x1024x1024xf32>
    tpu.vector_store %arg4[%swap3A_30, %swap3A_31, %swap3A_32], %swap3A_35 {strides = array<i32>} : memref<4x1024x1024xf32, #tpu.memory_space<vmem>>, vector<1x1024x1024xf32>,
    %lt3A_36 = arith.constant 24 : i32
    %lt3A_37 = arith.cmpi slt, %arg0, %lt3A_36 : i32
    %or3A_38 = arith.constant false
    %or3A_39 = arith.ori %lt3A_37, %or3A_38 : i1
    %convert_element_type3A_40 = arith.extui %or3A_39 : i1 to i32
    %cond3A_41 = arith.constant 0 : i32
    %cond3A_42 = arith.cmpi ne, %convert_element_type3A_40, %cond3A_41 : i32
    scf.if %cond3A_42 {
      %mul3A = arith.constant 4096 : i32
      %mul3A_95 = arith.muli %arg0, %mul3A : i32
      %add3A = arith.constant 1024 : i32
      %add3A_96 = arith.addi %mul3A_95, %add3A : i32
      %dma_start3A = arith.constant 1 : i32
      %dma_start3A_97 = arith.constant 1 : i32
      %dma_start3A_98 = tpu.memref_slice %arg6[%dma_start3A_97] : memref<4x!tpu.dma_semaphore, #tpu.memory_space<semaphore_mem>> -> memref<1x!tpu.dma_semaphore, #tpu.memory_space<semaphore_mem>>
      %dma_start3A_99 = tpu.memref_squeeze %dma_start3A_98 : memref<1x!tpu.dma_semaphore, #tpu.memory_space<semaphore_mem>> -> memref<!tpu.dma_semaphore, #tpu.memory_space<semaphore_mem>>
      %dma_start3A_100 = arith.constant 0 : i32
      %dma_start3A_101 = tpu.memref_slice %arg3[%dma_start3A_100, %add3A_96] : memref<1024x100000xf32, #tpu.memory_space<any>> -> memref<1024x1024xf32, #tpu.memory_space<any>>
      %dma_start3A_102 = arith.constant 0 : i32
      %dma_start3A_103 = arith.constant 0 : i32
      %dma_start3A_104 = tpu.memref_slice %arg4[%dma_start3A, %dma_start3A_102, %dma_start3A_103] : memref<4x1024x1024xf32, #tpu.memory_space<vmem>> -> memref<1x1024x1024xf32, #tpu.memory_space<vmem>>
      %dma_start3A_105 = tpu.memref_squeeze %dma_start3A_104 : memref<1x1024x1024xf32, #tpu.memory_space<vmem>> -> memref<1024x1024xf32, #tpu.memory_space<vmem>>
      tpu.enqueue_dma source(%dma_start3A_105 : memref<1024x1024xf32, #tpu.memory_space<vmem>>) target(%dma_start3A_101 : memref<1024x1024xf32, #tpu.memory_space<any>>) target_semaphore(%dma_start3A_99 : memref<!tpu.dma_semaphore, #tpu.memory_space<semaphore_mem>>)
    } else {
    }
    %gt3A_43 = arith.constant 0 : i32
    %gt3A_44 = arith.cmpi sgt, %arg0, %gt3A_43 : i32
    %convert_element_type3A_45 = arith.extui %gt3A_44 : i1 to i32
    %cond3A_46 = arith.constant 0 : i32
    %cond3A_47 = arith.cmpi ne, %convert_element_type3A_45, %cond3A_46 : i32
    scf.if %cond3A_47 {
      %sub3A = arith.constant 1 : i32
      %sub3A_95 = arith.subi %arg0, %sub3A : i32
      %mul3A = arith.constant 4096 : i32
      %mul3A_96 = arith.muli %sub3A_95, %mul3A : i32
      %add3A = arith.constant 2048 : i32
      %add3A_97 = arith.addi %mul3A_96, %add3A : i32
      %dma_wait3A = arith.constant 2 : i32
      %dma_wait3A_98 = arith.constant 2 : i32
      %dma_wait3A_99 = tpu.memref_slice %arg6[%dma_wait3A_98] : memref<4x!tpu.dma_semaphore, #tpu.memory_space<semaphore_mem>> -> memref<1x!tpu.dma_semaphore, #tpu.memory_space<semaphore_mem>>
      %dma_wait3A_100 = tpu.memref_squeeze %dma_wait3A_99 : memref<1x!tpu.dma_semaphore, #tpu.memory_space<semaphore_mem>> -> memref<!tpu.dma_semaphore, #tpu.memory_space<semaphore_mem>>
      %dma_wait3A_101 = arith.constant 0 : i32
      %dma_wait3A_102 = tpu.memref_slice %arg3[%dma_wait3A_101, %add3A_97] : memref<1024x100000xf32, #tpu.memory_space<any>> -> memref<1024x1024xf32, #tpu.memory_space<any>>
      %dma_wait3A_103 = arith.constant 0 : i32
      %dma_wait3A_104 = arith.constant 0 : i32
      %dma_wait3A_105 = tpu.memref_slice %arg4[%dma_wait3A, %dma_wait3A_103, %dma_wait3A_104] : memref<4x1024x1024xf32, #tpu.memory_space<vmem>> -> memref<1x1024x1024xf32, #tpu.memory_space<vmem>>
      %dma_wait3A_106 = tpu.memref_squeeze %dma_wait3A_105 : memref<1x1024x1024xf32, #tpu.memory_space<vmem>> -> memref<1024x1024xf32, #tpu.memory_space<vmem>>
      tpu.wait_dma2 semaphore(%dma_wait3A_100 : memref<!tpu.dma_semaphore, #tpu.memory_space<semaphore_mem>>) src(%dma_wait3A_106 : memref<1024x1024xf32, #tpu.memory_space<vmem>>) dst(%dma_wait3A_102 : memref<1024x1024xf32, #tpu.memory_space<any>>)
    } else {
    }
    %get3A_48 = arith.constant 2048 : index
    %get3A_49 = arith.constant 0 : index
    %get3A_50 = vector.load %arg2[%get3A_48, %get3A_49] : memref<4096x64xf32, #tpu.memory_space<vmem>>, vector<1024x64xf32>
    %convert_element_type3A_51 = arith.truncf %get3A_50 : vector<1024x64xf32> to vector<1024x64xbf16>
    %dot_general3A_52 = arith.constant dense<0.000000e+00> : vector<1024x1024xf32>
    %dot_general3A_53 = tpu.matmul %get3A_1, %convert_element_type3A_51, %dot_general3A_52 {dimension_numbers = #tpu.dot_dimension_numbers<[1], [1], [0], [0], [0, 0, 1, 0], [], []>, transpose_lhs_hint = false} : vector<1024x64xbf16>, vector<1024x64xbf16>, vector<1024x1024xf32> -> vector<1024x1024xf32>
    %swap3A_54 = arith.constant 2 : index
    %swap3A_55 = arith.constant 0 : index
    %swap3A_56 = arith.constant 0 : index
    %swap3A_57 = vector.load %arg4[%swap3A_54, %swap3A_55, %swap3A_56] : memref<4x1024x1024xf32, #tpu.memory_space<vmem>>, vector<1x1024x1024xf32>
    %swap3A_58 = vector.shape_cast %swap3A_57 : vector<1x1024x1024xf32> to vector<1024x1024xf32>
    %swap3A_59 = vector.shape_cast %dot_general3A_53 : vector<1024x1024xf32> to vector<1x1024x1024xf32>
    tpu.vector_store %arg4[%swap3A_54, %swap3A_55, %swap3A_56], %swap3A_59 {strides = array<i32>} : memref<4x1024x1024xf32, #tpu.memory_space<vmem>>, vector<1x1024x1024xf32>,
    %lt3A_60 = arith.constant 24 : i32
    %lt3A_61 = arith.cmpi slt, %arg0, %lt3A_60 : i32
    %or3A_62 = arith.constant false
    %or3A_63 = arith.ori %lt3A_61, %or3A_62 : i1
    %convert_element_type3A_64 = arith.extui %or3A_63 : i1 to i32
    %cond3A_65 = arith.constant 0 : i32
    %cond3A_66 = arith.cmpi ne, %convert_element_type3A_64, %cond3A_65 : i32
    scf.if %cond3A_66 {
      %mul3A = arith.constant 4096 : i32
      %mul3A_95 = arith.muli %arg0, %mul3A : i32
      %add3A = arith.constant 2048 : i32
      %add3A_96 = arith.addi %mul3A_95, %add3A : i32
      %dma_start3A = arith.constant 2 : i32
      %dma_start3A_97 = arith.constant 2 : i32
      %dma_start3A_98 = tpu.memref_slice %arg6[%dma_start3A_97] : memref<4x!tpu.dma_semaphore, #tpu.memory_space<semaphore_mem>> -> memref<1x!tpu.dma_semaphore, #tpu.memory_space<semaphore_mem>>
      %dma_start3A_99 = tpu.memref_squeeze %dma_start3A_98 : memref<1x!tpu.dma_semaphore, #tpu.memory_space<semaphore_mem>> -> memref<!tpu.dma_semaphore, #tpu.memory_space<semaphore_mem>>
      %dma_start3A_100 = arith.constant 0 : i32
      %dma_start3A_101 = tpu.memref_slice %arg3[%dma_start3A_100, %add3A_96] : memref<1024x100000xf32, #tpu.memory_space<any>> -> memref<1024x1024xf32, #tpu.memory_space<any>>
      %dma_start3A_102 = arith.constant 0 : i32
      %dma_start3A_103 = arith.constant 0 : i32
      %dma_start3A_104 = tpu.memref_slice %arg4[%dma_start3A, %dma_start3A_102, %dma_start3A_103] : memref<4x1024x1024xf32, #tpu.memory_space<vmem>> -> memref<1x1024x1024xf32, #tpu.memory_space<vmem>>
      %dma_start3A_105 = tpu.memref_squeeze %dma_start3A_104 : memref<1x1024x1024xf32, #tpu.memory_space<vmem>> -> memref<1024x1024xf32, #tpu.memory_space<vmem>>
      tpu.enqueue_dma source(%dma_start3A_105 : memref<1024x1024xf32, #tpu.memory_space<vmem>>) target(%dma_start3A_101 : memref<1024x1024xf32, #tpu.memory_space<any>>) target_semaphore(%dma_start3A_99 : memref<!tpu.dma_semaphore, #tpu.memory_space<semaphore_mem>>)
    } else {
    }
    %gt3A_67 = arith.constant 0 : i32
    %gt3A_68 = arith.cmpi sgt, %arg0, %gt3A_67 : i32
    %convert_element_type3A_69 = arith.extui %gt3A_68 : i1 to i32
    %cond3A_70 = arith.constant 0 : i32
    %cond3A_71 = arith.cmpi ne, %convert_element_type3A_69, %cond3A_70 : i32
    scf.if %cond3A_71 {
      %sub3A = arith.constant 1 : i32
      %sub3A_95 = arith.subi %arg0, %sub3A : i32
      %mul3A = arith.constant 4096 : i32
      %mul3A_96 = arith.muli %sub3A_95, %mul3A : i32
      %add3A = arith.constant 3072 : i32
      %add3A_97 = arith.addi %mul3A_96, %add3A : i32
      %dma_wait3A = arith.constant 3 : i32
      %dma_wait3A_98 = arith.constant 3 : i32
      %dma_wait3A_99 = tpu.memref_slice %arg6[%dma_wait3A_98] : memref<4x!tpu.dma_semaphore, #tpu.memory_space<semaphore_mem>> -> memref<1x!tpu.dma_semaphore, #tpu.memory_space<semaphore_mem>>
      %dma_wait3A_100 = tpu.memref_squeeze %dma_wait3A_99 : memref<1x!tpu.dma_semaphore, #tpu.memory_space<semaphore_mem>> -> memref<!tpu.dma_semaphore, #tpu.memory_space<semaphore_mem>>
      %dma_wait3A_101 = arith.constant 0 : i32
      %dma_wait3A_102 = tpu.memref_slice %arg3[%dma_wait3A_101, %add3A_97] : memref<1024x100000xf32, #tpu.memory_space<any>> -> memref<1024x1024xf32, #tpu.memory_space<any>>
      %dma_wait3A_103 = arith.constant 0 : i32
      %dma_wait3A_104 = arith.constant 0 : i32
      %dma_wait3A_105 = tpu.memref_slice %arg4[%dma_wait3A, %dma_wait3A_103, %dma_wait3A_104] : memref<4x1024x1024xf32, #tpu.memory_space<vmem>> -> memref<1x1024x1024xf32, #tpu.memory_space<vmem>>
      %dma_wait3A_106 = tpu.memref_squeeze %dma_wait3A_105 : memref<1x1024x1024xf32, #tpu.memory_space<vmem>> -> memref<1024x1024xf32, #tpu.memory_space<vmem>>
      tpu.wait_dma2 semaphore(%dma_wait3A_100 : memref<!tpu.dma_semaphore, #tpu.memory_space<semaphore_mem>>) src(%dma_wait3A_106 : memref<1024x1024xf32, #tpu.memory_space<vmem>>) dst(%dma_wait3A_102 : memref<1024x1024xf32, #tpu.memory_space<any>>)
    } else {
    }
    %get3A_72 = arith.constant 3072 : index
    %get3A_73 = arith.constant 0 : index
    %get3A_74 = vector.load %arg2[%get3A_72, %get3A_73] : memref<4096x64xf32, #tpu.memory_space<vmem>>, vector<1024x64xf32>
    %convert_element_type3A_75 = arith.truncf %get3A_74 : vector<1024x64xf32> to vector<1024x64xbf16>
    %dot_general3A_76 = arith.constant dense<0.000000e+00> : vector<1024x1024xf32>
    %dot_general3A_77 = tpu.matmul %get3A_1, %convert_element_type3A_75, %dot_general3A_76 {dimension_numbers = #tpu.dot_dimension_numbers<[1], [1], [0], [0], [0, 0, 1, 0], [], []>, transpose_lhs_hint = false} : vector<1024x64xbf16>, vector<1024x64xbf16>, vector<1024x1024xf32> -> vector<1024x1024xf32>
    %swap3A_78 = arith.constant 3 : index
    %swap3A_79 = arith.constant 0 : index
    %swap3A_80 = arith.constant 0 : index
    %swap3A_81 = vector.load %arg4[%swap3A_78, %swap3A_79, %swap3A_80] : memref<4x1024x1024xf32, #tpu.memory_space<vmem>>, vector<1x1024x1024xf32>
    %swap3A_82 = vector.shape_cast %swap3A_81 : vector<1x1024x1024xf32> to vector<1024x1024xf32>
    %swap3A_83 = vector.shape_cast %dot_general3A_77 : vector<1024x1024xf32> to vector<1x1024x1024xf32>
    tpu.vector_store %arg4[%swap3A_78, %swap3A_79, %swap3A_80], %swap3A_83 {strides = array<i32>} : memref<4x1024x1024xf32, #tpu.memory_space<vmem>>, vector<1x1024x1024xf32>,
    %lt3A_84 = arith.constant 24 : i32
    %lt3A_85 = arith.cmpi slt, %arg0, %lt3A_84 : i32
    %or3A_86 = arith.constant false
    %or3A_87 = arith.ori %lt3A_85, %or3A_86 : i1
    %convert_element_type3A_88 = arith.extui %or3A_87 : i1 to i32
    %cond3A_89 = arith.constant 0 : i32
    %cond3A_90 = arith.cmpi ne, %convert_element_type3A_88, %cond3A_89 : i32
    scf.if %cond3A_90 {
      %mul3A = arith.constant 4096 : i32
      %mul3A_95 = arith.muli %arg0, %mul3A : i32
      %add3A = arith.constant 3072 : i32
      %add3A_96 = arith.addi %mul3A_95, %add3A : i32
      %dma_start3A = arith.constant 3 : i32
      %dma_start3A_97 = arith.constant 3 : i32
      %dma_start3A_98 = tpu.memref_slice %arg6[%dma_start3A_97] : memref<4x!tpu.dma_semaphore, #tpu.memory_space<semaphore_mem>> -> memref<1x!tpu.dma_semaphore, #tpu.memory_space<semaphore_mem>>
      %dma_start3A_99 = tpu.memref_squeeze %dma_start3A_98 : memref<1x!tpu.dma_semaphore, #tpu.memory_space<semaphore_mem>> -> memref<!tpu.dma_semaphore, #tpu.memory_space<semaphore_mem>>
      %dma_start3A_100 = arith.constant 0 : i32
      %dma_start3A_101 = tpu.memref_slice %arg3[%dma_start3A_100, %add3A_96] : memref<1024x100000xf32, #tpu.memory_space<any>> -> memref<1024x1024xf32, #tpu.memory_space<any>>
      %dma_start3A_102 = arith.constant 0 : i32
      %dma_start3A_103 = arith.constant 0 : i32
      %dma_start3A_104 = tpu.memref_slice %arg4[%dma_start3A, %dma_start3A_102, %dma_start3A_103] : memref<4x1024x1024xf32, #tpu.memory_space<vmem>> -> memref<1x1024x1024xf32, #tpu.memory_space<vmem>>
      %dma_start3A_105 = tpu.memref_squeeze %dma_start3A_104 : memref<1x1024x1024xf32, #tpu.memory_space<vmem>> -> memref<1024x1024xf32, #tpu.memory_space<vmem>>
      tpu.enqueue_dma source(%dma_start3A_105 : memref<1024x1024xf32, #tpu.memory_space<vmem>>) target(%dma_start3A_101 : memref<1024x1024xf32, #tpu.memory_space<any>>) target_semaphore(%dma_start3A_99 : memref<!tpu.dma_semaphore, #tpu.memory_space<semaphore_mem>>)
    } else {
    }
    %eq3A = arith.constant 24 : i32
    %eq3A_91 = arith.cmpi eq, %arg0, %eq3A : i32
    %convert_element_type3A_92 = arith.extui %eq3A_91 : i1 to i32
    %cond3A_93 = arith.constant 0 : i32
    %cond3A_94 = arith.cmpi ne, %convert_element_type3A_92, %cond3A_93 : i32
    scf.if %cond3A_94 {
      %get3A_95 = arith.constant 1024 : index
      %get3A_96 = arith.constant 0 : index
      %get3A_97 = vector.load %arg2[%get3A_95, %get3A_96] : memref<4096x64xf32, #tpu.memory_space<vmem>>, vector<672x64xf32>
      %convert_element_type3A_98 = arith.truncf %get3A_97 : vector<672x64xf32> to vector<672x64xbf16>
      %dot_general3A_99 = arith.constant dense<0.000000e+00> : vector<1024x672xf32>
      %dot_general3A_100 = tpu.matmul %get3A_1, %convert_element_type3A_98, %dot_general3A_99 {dimension_numbers = #tpu.dot_dimension_numbers<[1], [1], [0], [0], [0, 0, 1, 0], [], []>, transpose_lhs_hint = false} : vector<1024x64xbf16>, vector<672x64xbf16>, vector<1024x672xf32> -> vector<1024x672xf32>
      %swap3A_101 = arith.constant 0 : index
      %swap3A_102 = arith.constant 0 : index
      %swap3A_103 = vector.load %arg5[%swap3A_101, %swap3A_102] : memref<1024x672xf32, #tpu.memory_space<vmem>>, vector<1024x672xf32>
      tpu.vector_store %arg5[%swap3A_101, %swap3A_102], %dot_general3A_100 {strides = array<i32>} : memref<1024x672xf32, #tpu.memory_space<vmem>>, vector<1024x672xf32>,
      %dma_start3A = arith.constant 0 : i32
      %dma_start3A_104 = arith.constant 99328 : i32
      %dma_start3A_105 = tpu.memref_slice %arg3[%dma_start3A, %dma_start3A_104] : memref<1024x100000xf32, #tpu.memory_space<any>> -> memref<1024x672xf32, #tpu.memory_space<any>>
      tpu.enqueue_dma source(%arg5 : memref<1024x672xf32, #tpu.memory_space<vmem>>) target(%dma_start3A_105 : memref<1024x672xf32, #tpu.memory_space<any>>) target_semaphore(%arg7 : memref<!tpu.dma_semaphore, #tpu.memory_space<semaphore_mem>>)
      %dma_wait3A = arith.constant 0 : i32
      %dma_wait3A_106 = arith.constant 0 : i32
      %dma_wait3A_107 = tpu.memref_slice %arg6[%dma_wait3A_106] : memref<4x!tpu.dma_semaphore, #tpu.memory_space<semaphore_mem>> -> memref<1x!tpu.dma_semaphore, #tpu.memory_space<semaphore_mem>>
      %dma_wait3A_108 = tpu.memref_squeeze %dma_wait3A_107 : memref<1x!tpu.dma_semaphore, #tpu.memory_space<semaphore_mem>> -> memref<!tpu.dma_semaphore, #tpu.memory_space<semaphore_mem>>
      %dma_wait3A_109 = arith.constant 0 : i32
      %dma_wait3A_110 = arith.constant 98304 : i32
      %dma_wait3A_111 = tpu.memref_slice %arg3[%dma_wait3A_109, %dma_wait3A_110] : memref<1024x100000xf32, #tpu.memory_space<any>> -> memref<1024x1024xf32, #tpu.memory_space<any>>
      %dma_wait3A_112 = arith.constant 0 : i32
      %dma_wait3A_113 = arith.constant 0 : i32
      %dma_wait3A_114 = tpu.memref_slice %arg4[%dma_wait3A, %dma_wait3A_112, %dma_wait3A_113] : memref<4x1024x1024xf32, #tpu.memory_space<vmem>> -> memref<1x1024x1024xf32, #tpu.memory_space<vmem>>
      %dma_wait3A_115 = tpu.memref_squeeze %dma_wait3A_114 : memref<1x1024x1024xf32, #tpu.memory_space<vmem>> -> memref<1024x1024xf32, #tpu.memory_space<vmem>>
      tpu.wait_dma2 semaphore(%dma_wait3A_108 : memref<!tpu.dma_semaphore, #tpu.memory_space<semaphore_mem>>) src(%dma_wait3A_115 : memref<1024x1024xf32, #tpu.memory_space<vmem>>) dst(%dma_wait3A_111 : memref<1024x1024xf32, #tpu.memory_space<any>>)
      %dma_wait3A_116 = arith.constant 0 : i32
      %dma_wait3A_117 = arith.constant 99328 : i32
      %dma_wait3A_118 = tpu.memref_slice %arg3[%dma_wait3A_116, %dma_wait3A_117] : memref<1024x100000xf32, #tpu.memory_space<any>> -> memref<1024x672xf32, #tpu.memory_space<any>>
      tpu.wait_dma2 semaphore(%arg7 : memref<!tpu.dma_semaphore, #tpu.memory_space<semaphore_mem>>) src(%arg5 : memref<1024x672xf32, #tpu.memory_space<vmem>>) dst(%dma_wait3A_118 : memref<1024x672xf32, #tpu.memory_space<any>>)
    } else {
    }
    return
  }
  func.func @transform_0(%arg0: i32) -> (i32, i32) {
    %c0_i32 = arith.constant 0 : i32
    %c0_i32_0 = arith.constant 0 : i32
    %c0_i32_1 = arith.constant 0 : i32
    return %c0_i32, %c0_i32_0 : i32, i32
  }
  func.func @transform_1(%arg0: i32) -> (i32, i32) {
    %c0_i32 = arith.constant 0 : i32
    %c0_i32_0 = arith.constant 0 : i32
    return %arg0, %c0_i32 : i32, i32
  }
}

</mosaic_0001>

<sc_bundles>
// kernel: kernel.4.cloned.1.call-start
scs
__scs_entry_jumppad:
0x0: {  	(pc) =	sbr.rel $0x88, $3  }
0x1: {  	(tag) =	ssettag $0x0;
	lr =	simm.s32 $0x1  }
0x2: {  	[smem:$0x3F9E] =	sst lr;
	_ =	strace $0xD0000000  }
0x3: {  	_ = 	snop  }
0x4: {  	_ = 	snop  }
0x5: {  	_ = 	snop  }
0x6: {  	_ = 	snop  }
0x7: {  	_ = 	snop  }
__scs_overlays_trampoline_lowered:
0x8: {  	[smem:$0x3FAD] =	sst s0  }
0x9: {  	[smem:$0x3FAE] =	sst s1  }
0xa: {  	[smem:$0x3FAF] =	sst s2  }
0xb: {  	[smem:$0x3FB0] =	sst s3  }
0xc: {  	[smem:$0x3FB1] =	sst s4  }
0xd: {  	[smem:$0x3FB2] =	sst s5  }
0xe: {  	[smem:$0x3FB3] =	sst s6  }
0xf: {  	[smem:$0x3FB4] =	sst s7  }
0x10: {  	[smem:$0x3FB5] =	sst s8  }
0x11: {  	[smem:$0x3FB6] =	sst s9;
	s0 =	simm.s32 @!p0 $0x0  }
0x12: {  	s1 =	sld [smem:$0x3F9C];
	s0 =	simm.s32 @p0 $0x1  }
0x13: {  	[smem:$0x3FB7] =	sst s0;
	s0 =	simm.s32 @!p1 $0x0  }
0x14: {  	s2 =	sld [smem:$0x3F9B];
	s0 =	simm.s32 @p1 $0x1  }
0x15: {  	[smem:$0x3FB8] =	sst s0;
	s0 =	simm.s32 @!p2 $0x0  }
0x16: {  	s3 =	sld [smem:$0x3FDB];
	s0 =	simm.s32 @p2 $0x1  }
0x17: {  	s4 =	simm.s32 $0x1BF5;
	[smem:$0x3FBA] =	sst s0  }
0x18: {  	s0 =	sld [smem:$0x3F9D];
	_ =	swait.ge [sflag:s4], $0x0  }
0x19: {  	s7 =	sld [smem:$0x3F9E]  }
0x1a: {  	s8 =	sadd.s32 $0xFFFFE003, lr  }
0x1b: {  	s9 =	sadd.s32 $0xFFFFFEF7, lr;
	s5 =	simm.s32 $0xFFFFFFFF;
	p2 =	slt.u32 s8, $0xFFFFF086  }
0x1c: {  	p1 =	slt.u32 s9, $0xF7A;
	s5 =	simm.s32 @!p2 $0x0  }
0x1d: {  	s5 =	simm.s32 @p1 $0x1;
	p0 =	seq.s32 s7, s2  }
0x1e: {  	s7 =	smul.u32 @!p0 $0xF7A, s2;
	p2 =	seq.s32 @!p0 s5, $0x0  }
0x1f: {  	s9 =	smul.u32 $0xF7A, s1;
	s8 =	simm.s32 @!p0 $0x1BF5;
	p2 =	por !p2, p0  }
0x20: {  	[sflag:s8] =	ssyncset.s32 @!p0 $0xFFFFF086;
	s6 =	sadd.s32 @!p0 s3, s7;
	s7 =	simm.s32 @!p0 $0x108  }
0x21: {  	s3 =	sadd.s32 s3, s9;
	s6 =	sadd.s32 @!p0 $0x88, s6;
	s7 =	simm.s32 @p2 $0x1082  }
0x22: {  	[simem:s7], [sflag:s8] =	dma.local @!p0 [hbm:s6], $0xF7A  }
0x23: {  	s9 =	sor.u32 $0xD0000000, s2;
	s6 =	simm.s32 $0x108;
	_ =	swait.ge @!p0 [sflag:s8], $0x0  }
0x24: {  	s3 =	sadd.s32 $0x88, s3;
	s6 =	simm.s32 @!p1 $0x1082;
	[sflag:s4] =	ssyncset.s32 $0xFFFFF086  }
0x25: {  	[simem:s6], [sflag:s4] =	dma.local [hbm:s3], $0xF7A  }
0x26: {  	[smem:$0x3F9E] =	sst s1;
	(tag) =	ssettag s2;
	_ =	strace s9  }
0x27: {  	s1 =	sld [smem:$0x3FAE]  }
0x28: {  	s2 =	sld [smem:$0x3FAF]  }
0x29: {  	s4 =	sld [smem:$0x3FB1]  }
0x2a: {  	p0 =	seq.s32 s5, $0x0;
	s5 =	sld [smem:$0x3FB2]  }
0x2b: {  	s6 =	sld [smem:$0x3FB3]  }
0x2c: {  	s7 =	sld [smem:$0x3FB4]  }
0x2d: {  	s3 =	simm.s32 $0x108;
	s8 =	sld [smem:$0x3FB5]  }
0x2e: {  	s3 =	simm.s32 @!p0 $0x1082;
	s9 =	sld [smem:$0x3FB6]  }
0x2f: {  	lr =	sadd.s32 s0, s3;
	s0 =	sld [smem:$0x3FAD]  }
0x30: {  	s3 =	sld [smem:$0x3FB0]  }
0x31: {  	[smem:$0x3FB9] =	sst s10  }
0x32: {  	s10 =	sld [smem:$0x3FB7];
	_ =	sdelay $0x3  }
0x33: {  	p0 =	seq.s32 s10, $0x1;
	s10 =	sld [smem:$0x3FB9];
	_ =	sdelay $0x3  }
0x34: {  	[smem:$0x3FB9] =	sst s10  }
0x35: {  	s10 =	sld [smem:$0x3FB8];
	_ =	sdelay $0x3  }
0x36: {  	p1 =	seq.s32 s10, $0x1;
	s10 =	sld [smem:$0x3FB9];
	_ =	sdelay $0x3  }
0x37: {  	[smem:$0x3FB9] =	sst s10  }
0x38: {  	s10 =	sld [smem:$0x3FBA]  }
0x39: {  	_ = 	snop;
	(pc) =	sbr.ind lr, $3  }
0x3a: {  	_ = 	snop  }
0x3b: {  	_ = 	snop  }
0x3c: {  	p2 =	seq.s32 s10, $0x1;
	s10 =	sld [smem:$0x3FB9]  }
0x3d: {  	_ =	shalt  }
0x3e: {  	_ =	shalt  }
0x3f: {  	_ =	shalt  }
0x40: {  	_ =	shalt  }
0x41: {  	_ =	shalt  }
0x42: {  	_ =	shalt  }
0x43: {  	_ =	shalt  }
0x44: {  	_ =	shalt  }
0x45: {  	_ =	shalt  }
0x46: {  	_ =	shalt  }
0x47: {  	_ =	shalt  }
0x48: {  	_ =	shalt  }
0x49: {  	_ =	shalt  }
0x4a: {  	_ =	shalt  }
0x4b: {  	_ =	shalt  }
0x4c: {  	_ =	shalt  }
0x4d: {  	_ =	shalt  }
0x4e: {  	_ =	shalt  }
0x4f: {  	_ =	shalt  }
0x50: {  	_ =	shalt  }
0x51: {  	_ =	shalt  }
0x52: {  	_ =	shalt  }
0x53: {  	_ =	shalt  }
0x54: {  	_ =	shalt  }
0x55: {  	_ =	shalt  }
0x56: {  	_ =	shalt  }
0x57: {  	_ =	shalt  }
0x58: {  	_ =	shalt  }
0x59: {  	_ =	shalt  }
0x5a: {  	_ =	shalt  }
0x5b: {  	_ =	shalt  }
0x5c: {  	_ =	shalt  }
0x5d: {  	_ =	shalt  }
0x5e: {  	_ =	shalt  }
0x5f: {  	_ =	shalt  }
0x60: {  	_ =	shalt  }
0x61: {  	_ =	shalt  }
0x62: {  	_ =	shalt  }
0x63: {  	_ =	shalt  }
0x64: {  	_ =	shalt  }
0x65: {  	_ =	shalt  }
0x66: {  	_ =	shalt  }
0x67: {  	_ =	shalt  }
0x68: {  	_ =	shalt  }
0x69: {  	_ =	shalt  }
0x6a: {  	_ =	shalt  }
0x6b: {  	_ =	shalt  }
0x6c: {  	_ =	shalt  }
0x6d: {  	_ =	shalt  }
0x6e: {  	_ =	shalt  }
0x6f: {  	_ =	shalt  }
0x70: {  	_ =	shalt  }
0x71: {  	_ =	shalt  }
0x72: {  	_ =	shalt  }
0x73: {  	_ =	shalt  }
0x74: {  	_ =	shalt  }
0x75: {  	_ =	shalt  }
0x76: {  	_ =	shalt  }
0x77: {  	_ =	shalt  }
0x78: {  	_ =	shalt  }
0x79: {  	_ =	shalt  }
0x7a: {  	_ =	shalt  }
0x7b: {  	_ =	shalt  }
0x7c: {  	_ =	shalt  }
0x7d: {  	_ =	shalt  }
0x7e: {  	_ =	shalt  }
0x7f: {  	_ =	shalt  }
0x80: {  	_ =	shalt  }
0x81: {  	_ =	shalt  }
0x82: {  	_ =	shalt  }
0x83: {  	_ =	shalt  }
0x84: {  	_ =	shalt  }
0x85: {  	_ =	shalt  }
0x86: {  	_ =	shalt  }
0x87: {  	_ =	shalt  }
.Lfunc_end0:
.L_simem_size_0:
called_computation_lowered:
.L_overlay_start_0:
0x88: {  	s2 =	sld [smem:$0x3FD9]  }
0x89: {  	s3 =	sld [smem:$0x3FFE];
	_ =	sdelay $0x1  }
0x8a: {  	s1 =	srdreg.scid  }
0x8b: {  	s0 =	sand.u32 $0x1, s1  }
0x8c: {  	s17 =	sshll.u32 s0, $0xA;
	s2 =	sadd.s32 s3, s2  }
0x8d: {  	s2 =	sadd.s32 s2, s17  }
0x8e: {  	[smem:$0x3FC5] =	sst s2  }
0x8f: {  	_ = 	snop  }
0x90: {  	s2 =	sld [smem:$0x3FC9];
	(tm) =	ssettm $0x1  }
0x91: {  	s18 =	sld [smem:$0x3FFB];
	_ =	sdelay $0x3  }
0x92: {  	_ =	strace s18  }
0x93: {  	s3 =	sld [smem:$0x3FFC];
	_ =	sdelay $0x3  }
0x94: {  	_ =	strace s3  }
0x95: {  	s3 =	sld [smem:$0x3FFD];
	_ =	sdelay $0x3  }
0x96: {  	_ =	strace s3  }
0x97: {  	_ =	strace $0x8FFFFFFF  }
0x98: {  	s19 =	sld [smem:$0x3FDB];
	_ =	sdelay $0x1  }
0x99: {  	s4 =	simm.s32 $_scs_section_size  }
0x9a: {  	s5 =	simm.s32 $_size__tile_overlayer_lowered;
	s6 =	simm.s32 $_tile_overlayer_lowered  }
0x9b: {  	s22 =	simm.s32 $0x1BFF;
	s21 =	sshll.u32 s6, $0x1;
	s3 =	sadd.s32 s4, s19  }
0x9c: {  	s7 =	simm.s32 $0x0;
	s20 =	sshll.u32 s5, $0x1;
	s5 =	sadd.s32 s21, s3  }
0x9d: {  	[timem:s7], [sflag:s22] =	dma.local [hbm:s5], s20  }
0x9e: {  	_ =	swait.ge [sflag:s22], s20  }
0x9f: {  	s4 =	ssub.s32 $0x0, s20;
	[sflag:s22] =	ssyncset.done $0x0  }
0xa0: {  	[sflag:s22] =	ssyncadd.s32 s4;
	_ =	sdelay $0x1  }
0xa1: {  	s23 =	simm.s32 $0x1B8B  }
0xa2: {  	_ =	swait.ge [sflag:s23], $0x1  }
0xa3: {  	[sflag:s23] =	ssyncset.done $0x0  }
0xa4: {  	s25 =	simm.s32 $0x1B8E;
	s24 =	sld [smem:$0x3FFE];
	[sflag:s23] =	ssyncadd.s32 $0xFFFFFFFF  }
0xa5: {  	s26 =	simm.s32 $execute0_lowered;
	[smem:$0x3FD2] =	sst s25  }
0xa6: {  	s5 =	sshll.u32 s26, $0x1;
	_ =	strace $0x80000046;
	[dreg:$0x1] =	wrdreg $0xFFFFFFFF  }
0xa7: {  	s28 =	simm.s32 $_size_execute0_lowered;
	s3 =	sadd.s32 s3, s5;
	[dreg:$0x0] =	wrdreg $0x0  }
0xa8: {  	s5 =	sshll.u32 s28, $0x1;
	[dreg:$0x2] =	wrdreg s3  }
0xa9: {  	[dreg:$0x3] =	wrdreg s5  }
0xaa: {  	[dreg:$0x4] =	wrdreg $0xC0  }
0xab: {  	_ =	task [dreg:s7], $0x5FFFF  }
0xac: {  	[dreg:$0x1] =	wrdreg $0xFFFFFFFF  }
0xad: {  	[dreg:$0x0] =	wrdreg $0x60  }
0xae: {  	[dreg:$0x2] =	wrdreg s24  }
0xaf: {  	[dreg:$0x3] =	wrdreg s2  }
0xb0: {  	[dreg:$0x4] =	wrdreg $0x9  }
0xb1: {  	_ =	task.clear_ibuf [dreg:s7], $0x5FFFF;
	_ =	strace $0x90000046  }
0xb2: {  	s29 =	simm.s32 $0x9;
	_ =	strace $0x80000048  }
0xb3: {  	_ =	swait.ge [sflag:s29], $0x1  }
0xb4: {  	[sflag:s29] =	ssyncadd.s32 $0xFFFFFFFF  }
0xb5: {  	_ =	strace $0x90000048  }
0xb6: {  	_ =	sfence  }
0xb7: {  	s30 =	sld [smem:$0x0];
	_ =	sdelay $0x2  }
0xb8: {  	s31 =	sshll.u32 s1, $0xD;
	s1 =	sshrl.u32 s1, $0x2  }
0xb9: {  	s3 =	sand.u32 $0x4000, s31;
	s1 =	sadd.s32 s1, s30  }
0xba: {  	s0 =	sor.u32 s3, s0;
	s1 =	sshll.u32 s1, $0x11  }
0xbb: {  	s0 =	sor.u32 s1, s0  }
0xbc: {  	s0 =	sadd.s32 $0x8F2B, s0  }
0xbd: {  	[sflag:s0] =	ssyncadd.remote.s32 $0x1  }
0xbe: {  	_ =	sfence.sel $0xFFFF  }
0xbf: {  	[dreg:$0x0] =	wrdreg $0xFFFFFFFF;
	(pc) =	sbr.abs _section_cstart, $3  }
0xc0: {  	[dreg:$0x1] =	wrdreg $0xFFFFFFFF  }
0xc1: {  	_ =	task.clear_ibuf [dreg:s7], $0x2FFFF;
	_ =	strace $0x9FFFFFFF  }
0xc2: {  	(tm) =	ssettm $0x7FFFFFFF  }
0xc3: {  	_ =	shalt  }
tec
execute0_lowered:
.L_overlay_start_1:
0x0: {  	(tag) =	ssettag $0x1  }
0x1: {  	s1 =	srdreg.scid  }
0x2: {  	s8 =	rddreg [dreg:$0x0];
	s0 =	stileid.u32  }
0x3: {  	s3 =	rddreg [dreg:$0x1];
	s2 =	simm.s32 $0x0;
	s6 =	sand.u32 $0x1, s1  }
0x4: {  	s4 =	sshll.u32 s0, $0x6;
	s1 =	rddreg [dreg:$0x2];
	s5 =	sshll.u32 s6, $0x5  }
0x5: {  	s7 =	simm.s32 $0x1;
	[smem:$0x7FF] =	sst s2;
	s9 =	sor.u32 s5, s4  }
0x6: {  	_ =	strace $0x80000047;
	s10 =	ssub.s32 $0x2, s6;
	s4 =	sshrl.u32 s9, $0x3  }
0x7: {  	s6 =	simm.s32 $0x20;
	s4 =	sadd.s32 s3, s4;
	s3 =	simm.s32 $0x2  }
0x8: {  	[tilespmem:s2], [sflag:$0x2] =	stream.linear.gather [hbm4b:s4+s2], $0x20, $0x38;
	[tilespmem:$0x820] =	vst v63  }
0x9: {  	s5 =	sadd.s32 $0x2000, s8;
	s11 =	sshrl.u32 s10, $0x1;
	_ =	swait.ge [sflag:s3], $0x20  }
0xa: {  	s9 =	sshll.u32 s9, $0x3;
	s31 =	ssub.s32 s10, s11;
	[sflag:s3] =	ssyncset.done $0x0  }
0xb: {  	s8 =	sadd.s32 s9, s8;
	s9 =	smax.u32 s31, $0x1;
	[sflag:s3] =	ssyncadd.s32 $0xFFFFFFE0  }
0xc: {  	[tilespmem:s6], [sflag:$0x1] =	stream.indirect.gather [hbm4b:s5+s6], $0x40, s2, s6, $0xb8;
	[tilespmem:$0x820] =	vst v63  }
0xd: {  	p0 =	sne.s32 s9, $0x1;
	_ =	swait.ge [sflag:s7], $0x800  }
.Ltmp0:
0xe: {  	[sflag:s7] =	ssyncset.done $0x0;
	(pc) =	sbr.rel @!p0 .LBB2_2-.Ltmp0, $4  }
0xf: {  	s8 =	sadd.s32 $0xC5600, s8;
	[sflag:s7] =	ssyncadd.s32 $0xFFFFF800  }
0x10: {  	[hbm4b:s8+s2] =	stream.linear.scatter [tilespmem:s6], [sflag:$0x2], $0x800, $0x38;
	[tilespmem:$0x820] =	vst v63  }
0x11: {  	_ =	swait.ge [sflag:s3], $0x800  }
0x12: {  	s9 =	sadd.s32 $0xFFFFFFFF, s9;
	[sflag:s3] =	ssyncset.done $0x0  }
.LBB2_1:
0x13: {  	p0 =	sne.s32 s9, $0x1;
	s9 =	sadd.s32 $0xFFFFFFFF, s9;
	[sflag:s3] =	ssyncadd.s32 $0xFFFFF800  }
0x14: {  	[tilespmem:s2], [sflag:$0x2] =	stream.linear.gather [hbm4b:s4+s2], $0x20, $0x38;
	[tilespmem:$0x820] =	vst v63  }
0x15: {  	_ =	swait.ge [sflag:s3], $0x20  }
0x16: {  	[sflag:s3] =	ssyncset.done $0x0  }
0x17: {  	[sflag:s3] =	ssyncadd.s32 $0xFFFFFFE0  }
0x18: {  	[tilespmem:s6], [sflag:$0x1] =	stream.indirect.gather [hbm4b:s5+s6], $0x40, s2, s6, $0xb8;
	[tilespmem:$0x820] =	vst v63  }
0x19: {  	_ =	swait.ge [sflag:s7], $0x800  }
.Ltmp1:
0x1a: {  	[sflag:s7] =	ssyncset.done $0x0;
	(pc) =	sbr.rel @p0 .LBB2_1-.Ltmp1, $4  }
0x1b: {  	[sflag:s7] =	ssyncadd.s32 $0xFFFFF800  }
0x1c: {  	[hbm4b:s8+s2] =	stream.linear.scatter [tilespmem:s6], [sflag:$0x2], $0x800, $0x38;
	[tilespmem:$0x820] =	vst v63  }
0x1d: {  	_ =	swait.ge [sflag:s3], $0x800  }
0x1e: {  	[sflag:s3] =	ssyncset.done $0x0  }
.LBB2_2:
0x1f: {  	[sflag:s3] =	ssyncadd.s32 $0xFFFFF800  }
0x20: {  	_ =	sfence.sel $0x180000  }
0x21: {  	[bflag:$0x0] =	sbarrier.arrive $0xFFFF  }
0x22: {  	p0 =	sne.s32 s0, $0x0;
	_ =	strace $0x90000047  }
0x23: {  	s0 =	sadd.s32 @!p0 $0x100000, s1;
	[bflag:$0x2] =	sbarrier.arrive $0xFFFF  }
0x24: {  	[sflag:s0] =	ssyncadd.tile.s32 @!p0 $0x1;
	_ =	shalt  }
.Lfunc_end2:
_tile_overlayer_lowered:
.L_overlay_start_2:
0x25: {  	(tag) =	ssettag $0x2  }
0x26: {  	s0 =	rddreg [dreg:$0x0];
	s2 =	stileid.u32  }
0x27: {  	s1 =	rddreg [dreg:$0x1];
	p0 =	sne.s32 s2, $0x0  }
0x28: {  	s3 =	rddreg [dreg:$0x2];
	[bflag:$0x3] =	sbarrier.arrive $0xFFFF;
	s2 =	simm.s32 @!p0 $0x1C02  }
0x29: {  	[timem:s3], [sflag:s2] =	dma.local @!p0 [hbm:s0], s1  }
0x2a: {  	s0 =	simm.s32 @!p0 $0x2  }
0x2b: {  	_ =	swait.ge @!p0 [sflag:s0], s1  }
0x2c: {  	s1 =	ssub.s32 @!p0 $0x0, s1;
	[sflag:s0] =	ssyncset.done @!p0 $0x0  }
0x2d: {  	[sflag:s0] =	ssyncadd.s32 @!p0 s1  }
0x2e: {  	[bflag:$0x3] =	sbarrier.arrive $0xFFFF  }
0x2f: {  	_ =	shalt  }

</sc_bundles>
